<compile_context>
chip_gen: v7x
topology: tpu7x:2x2x1
jax: 0.10.2.dev20260603
libtpu: 0.0.44.dev20260713+nightly
codegen_flags: <defaults>
</compile_context>

<pallas_src>
import jax
import jax.numpy as jnp
from jax.experimental import pallas as pl

_B, _L, _D = 16, 1022, 3072
_ROWS = _B * _L
_BLKR = 584


def _fused(x_ref, mrow_ref, mask_ref, out_ref, bool_ref, ends_ref):
    out_ref[...] = x_ref[...] * mrow_ref[...]

    @pl.when(pl.program_id(0) == 0)
    def _():
        m = mask_ref[...]
        bool_ref[...] = m != 0.0
        ends_ref[...] = jnp.sum(m, axis=1, keepdims=True)


def kernel(X, attention_mask):
    x2 = X.reshape(_ROWS, _D)
    mrow = attention_mask.reshape(_ROWS, 1)
    grid = _ROWS // _BLKR
    out, mask_bool, ends = pl.pallas_call(
        _fused,
        grid=(grid,),
        in_specs=[
            pl.BlockSpec((_BLKR, _D), lambda i: (i, 0)),
            pl.BlockSpec((_BLKR, 1), lambda i: (i, 0)),
            pl.BlockSpec((_B, _L), lambda i: (0, 0)),
        ],
        out_specs=[
            pl.BlockSpec((_BLKR, _D), lambda i: (i, 0)),
            pl.BlockSpec((_B, _L), lambda i: (0, 0)),
            pl.BlockSpec((_B, 1), lambda i: (0, 0)),
        ],
        out_shape=[
            jax.ShapeDtypeStruct((_ROWS, _D), X.dtype),
            jax.ShapeDtypeStruct((_B, _L), jnp.bool_),
            jax.ShapeDtypeStruct((_B, 1), jnp.float32),
        ],
    )(x2, mrow, attention_mask)
    return out.reshape(_B, _L, _D), mask_bool, ends.reshape(_B)

# --- scband reference (transcript-rebuilt; emitter-appended) ---
"""Pipeline reference for scband-gear-net-model-29661044146734 (READ-ONLY COPY).

The authoritative reference and input builder live on the scoring server;
editing this copy changes nothing except your own understanding.
"""

import jax, jax.numpy as jnp
import numpy as np

B, L, D = 16, 1022, 3072

def setup_inputs(seed: int = 0) -> dict:
    key = jax.random.key(seed)
    k1, _ = jax.random.split(key)
    X = jax.random.normal(k1, (B, L, D), dtype=jnp.float32)
    attention_mask = jnp.ones((B, L), dtype=jnp.float32)
    return {"X": X, "attention_mask": attention_mask}

def reference(X, attention_mask):
    # GearNetModel.forward: emb = batch['X']; mask = batch['attention_mask'];
    # ends = mask.sum(dim=-1); post_process slices emb[i][start:end] per sample.
    # Tensor-equivalent (padding-preserving) form: zero out positions past each
    # sample's end by multiplying with the (contiguous-ones) attention mask.
    ends = jnp.sum(attention_mask, axis=-1)
    masked_emb = X * attention_mask[..., None]
    mask_bool = attention_mask.astype(jnp.bool_)
    return masked_emb, mask_bool, ends

if __name__ == "__main__":
    import jax
    _d = setup_inputs()
    print(jax.jit(kernel)(*tuple(_d.values())))

</pallas_src>

<mosaic_0001>
module attributes {stable_mosaic.version = 14 : i64} {
  func.func @_fused(%arg0: i32, %arg1: memref<584x3072xf32, #tpu.memory_space<vmem>>, %arg2: memref<584x1xf32, #tpu.memory_space<vmem>>, %arg3: memref<16x1022xf32, #tpu.memory_space<vmem>>, %arg4: memref<584x3072xf32, #tpu.memory_space<vmem>>, %arg5: memref<16x1022xi32, #tpu.memory_space<vmem>>, %arg6: memref<16x1xf32, #tpu.memory_space<vmem>>) attributes {dimension_semantics = [#tpu.dimension_semantics<arbitrary>], iteration_bounds = array<i64: 28>, scalar_prefetch = 0 : i64, scratch_operands = 0 : i64, tpu.core_type = #tpu.core_type<tc>, window_params = [{transform_indices = @transform_0, window_bounds = array<i64: 584, 3072>}, {transform_indices = @transform_1, window_bounds = array<i64: 584, 1>}, {pipeline_mode = #tpu.pipeline_mode<synchronous>, transform_indices = @transform_2, window_bounds = array<i64: 16, 1022>}, {transform_indices = @transform_3, window_bounds = array<i64: 584, 3072>}, {pipeline_mode = #tpu.pipeline_mode<synchronous>, transform_indices = @transform_4, window_bounds = array<i64: 16, 1022>}, {pipeline_mode = #tpu.pipeline_mode<synchronous>, transform_indices = @transform_5, window_bounds = array<i64: 16, 1>}]} {
    %get3A = arith.constant 0 : index
    %get3A_0 = arith.constant 0 : index
    %get3A_1 = vector.load %arg1[%get3A, %get3A_0] : memref<584x3072xf32, #tpu.memory_space<vmem>>, vector<584x3072xf32>
    %get3A_2 = arith.constant 0 : index
    %get3A_3 = arith.constant 0 : index
    %get3A_4 = vector.load %arg2[%get3A_2, %get3A_3] : memref<584x1xf32, #tpu.memory_space<vmem>>, vector<584x1xf32>
    %mul3A = vector.broadcast %get3A_4 : vector<584x1xf32> to vector<584x3072xf32>
    %mul3A_5 = arith.mulf %get3A_1, %mul3A : vector<584x3072xf32>
    %swap3A = arith.constant 0 : index
    %swap3A_6 = arith.constant 0 : index
    %swap3A_7 = vector.load %arg4[%swap3A, %swap3A_6] : memref<584x3072xf32, #tpu.memory_space<vmem>>, vector<584x3072xf32>
    tpu.vector_store %arg4[%swap3A, %swap3A_6], %mul3A_5 {strides = array<i32>} : memref<584x3072xf32, #tpu.memory_space<vmem>>, vector<584x3072xf32>,
    %eq3A = arith.constant 0 : i32
    %eq3A_8 = arith.cmpi eq, %arg0, %eq3A : i32
    %convert_element_type3A = arith.extui %eq3A_8 : i1 to i32
    %cond3A = arith.constant 0 : i32
    %cond3A_9 = arith.cmpi ne, %convert_element_type3A, %cond3A : i32
    scf.if %cond3A_9 {
      %get3A_10 = arith.constant 0 : index
      %get3A_11 = arith.constant 0 : index
      %get3A_12 = vector.load %arg3[%get3A_10, %get3A_11] : memref<16x1022xf32, #tpu.memory_space<vmem>>, vector<16x1022xf32>
      %ne3A = arith.constant 0.000000e+00 : f32
      %ne3A_13 = vector.broadcast %ne3A : f32 to vector<16x1022xf32>
      %ne3A_14 = arith.cmpf one, %get3A_12, %ne3A_13 : vector<16x1022xf32>
      %swap3A_15 = arith.constant 0 : index
      %swap3A_16 = arith.constant 0 : index
      %swap3A_17 = vector.load %arg5[%swap3A_15, %swap3A_16] : memref<16x1022xi32, #tpu.memory_space<vmem>>, vector<16x1022xi32>
      %swap3A_18 = arith.extui %ne3A_14 : vector<16x1022xi1> to vector<16x1022xi32>
      %swap3A_19 = arith.constant dense<0> : vector<16x1022xi32>
      %swap3A_20 = arith.cmpi ne, %swap3A_17, %swap3A_19 : vector<16x1022xi32>
      tpu.vector_store %arg5[%swap3A_15, %swap3A_16], %swap3A_18 {strides = array<i32>} : memref<16x1022xi32, #tpu.memory_space<vmem>>, vector<16x1022xi32>,
      %reduce_sum3A = arith.constant dense<0.000000e+00> : vector<16xf32>
      %reduce_sum3A_21 = vector.multi_reduction <add>, %get3A_12, %reduce_sum3A [1] : vector<16x1022xf32> to vector<16xf32>
      %broadcast_in_dim3A = vector.shape_cast %reduce_sum3A_21 : vector<16xf32> to vector<16x1xf32>
      %swap3A_22 = arith.constant 0 : index
      %swap3A_23 = arith.constant 0 : index
      %swap3A_24 = vector.load %arg6[%swap3A_22, %swap3A_23] : memref<16x1xf32, #tpu.memory_space<vmem>>, vector<16x1xf32>
      tpu.vector_store %arg6[%swap3A_22, %swap3A_23], %broadcast_in_dim3A {strides = array<i32>} : memref<16x1xf32, #tpu.memory_space<vmem>>, vector<16x1xf32>,
    } else {
    }
    return
  }
  func.func @transform_0(%arg0: i32) -> (i32, i32) {
    %c0_i32 = arith.constant 0 : i32
    %c0_i32_0 = arith.constant 0 : i32
    return %arg0, %c0_i32 : i32, i32
  }
  func.func @transform_1(%arg0: i32) -> (i32, i32) {
    %c0_i32 = arith.constant 0 : i32
    %c0_i32_0 = arith.constant 0 : i32
    return %arg0, %c0_i32 : i32, i32
  }
  func.func @transform_2(%arg0: i32) -> (i32, i32) {
    %c0_i32 = arith.constant 0 : i32
    %c0_i32_0 = arith.constant 0 : i32
    %c0_i32_1 = arith.constant 0 : i32
    return %c0_i32, %c0_i32_0 : i32, i32
  }
  func.func @transform_3(%arg0: i32) -> (i32, i32) {
    %c0_i32 = arith.constant 0 : i32
    %c0_i32_0 = arith.constant 0 : i32
    return %arg0, %c0_i32 : i32, i32
  }
  func.func @transform_4(%arg0: i32) -> (i32, i32) {
    %c0_i32 = arith.constant 0 : i32
    %c0_i32_0 = arith.constant 0 : i32
    %c0_i32_1 = arith.constant 0 : i32
    return %c0_i32, %c0_i32_0 : i32, i32
  }
  func.func @transform_5(%arg0: i32) -> (i32, i32) {
    %c0_i32 = arith.constant 0 : i32
    %c0_i32_0 = arith.constant 0 : i32
    %c0_i32_1 = arith.constant 0 : i32
    return %c0_i32, %c0_i32_0 : i32, i32
  }
}

</mosaic_0001>

<sc_bundles>
// kernel: sparse-core-data-format-call.cloned.1.call-start
scs
called_computation_lowered:
.L_overlay_start_0:
0x0: {  	s2 =	sld [smem:$0x3FD9]  }
0x1: {  	s3 =	sld [smem:$0x3FFE];
	_ =	sdelay $0x1  }
0x2: {  	s1 =	srdreg.scid  }
0x3: {  	s0 =	sand.u32 $0x1, s1  }
0x4: {  	s15 =	sshll.u32 s0, $0xA;
	s2 =	sadd.s32 s3, s2  }
0x5: {  	s2 =	sadd.s32 s2, s15  }
0x6: {  	[smem:$0x3FC6] =	sst s2  }
0x7: {  	_ = 	snop  }
0x8: {  	s2 =	sld [smem:$0x3FD0];
	_ =	sdelay $0x2  }
0x9: {  	s16 =	simm.s32 $0xA;
	s4 =	simm.s32 $0x10  }
0xa: {  	[smem:s4], [sflag:s16] =	dma.local [hbm:s2], $0x1  }
0xb: {  	_ =	swait.eq [sflag:s16], $0x1  }
0xc: {  	[sflag:s16] =	ssyncset.done $0x0  }
0xd: {  	[sflag:s16] =	ssyncadd.s32 $0xFFFFFFFF  }
0xe: {  	s17 =	sld [smem:$0x10];
	(tm) =	ssettm $0x1  }
0xf: {  	s18 =	sld [smem:$0x3FFB];
	_ =	sdelay $0x3  }
0x10: {  	_ =	strace s18  }
0x11: {  	s3 =	sld [smem:$0x3FFC];
	_ =	sdelay $0x3  }
0x12: {  	_ =	strace s3  }
0x13: {  	s3 =	sld [smem:$0x3FFD];
	_ =	sdelay $0x3  }
0x14: {  	_ =	strace s3  }
0x15: {  	_ =	strace $0x8FFFFFFF  }
0x16: {  	s19 =	sld [smem:$0x3FDB];
	_ =	sdelay $0x1  }
0x17: {  	s20 =	simm.s32 $_scs_section_size  }
0x18: {  	s5 =	simm.s32 $_size__tile_overlayer_lowered;
	s6 =	simm.s32 $_tile_overlayer_lowered  }
0x19: {  	s23 =	simm.s32 $0x1BFF;
	s22 =	sshll.u32 s6, $0x1;
	s3 =	sadd.s32 s20, s19  }
0x1a: {  	s7 =	simm.s32 $0x0;
	s21 =	sshll.u32 s5, $0x1;
	s5 =	sadd.s32 s22, s3  }
0x1b: {  	[timem:s7], [sflag:s23] =	dma.local [hbm:s5], s21  }
0x1c: {  	_ =	swait.ge [sflag:s23], s21  }
0x1d: {  	s4 =	ssub.s32 $0x0, s21;
	[sflag:s23] =	ssyncset.done $0x0  }
0x1e: {  	[sflag:s23] =	ssyncadd.s32 s4;
	_ =	sdelay $0x1  }
0x1f: {  	s24 =	simm.s32 $0x1B8B  }
0x20: {  	_ =	swait.ge [sflag:s24], $0x1  }
0x21: {  	[sflag:s24] =	ssyncset.done $0x0  }
0x22: {  	s26 =	simm.s32 $0x1B8E;
	s25 =	sld [smem:$0x3FFE];
	[sflag:s24] =	ssyncadd.s32 $0xFFFFFFFF  }
0x23: {  	s27 =	simm.s32 $execute0_lowered;
	[smem:$0x3FD2] =	sst s26  }
0x24: {  	s5 =	sshll.u32 s27, $0x1;
	_ =	strace $0x80000046;
	[dreg:$0x1] =	wrdreg $0xFFFFFFFF  }
0x25: {  	s28 =	simm.s32 $_size_execute0_lowered;
	s3 =	sadd.s32 s3, s5;
	[dreg:$0x0] =	wrdreg $0x0  }
0x26: {  	s5 =	sshll.u32 s28, $0x1;
	[dreg:$0x2] =	wrdreg s3  }
0x27: {  	[dreg:$0x3] =	wrdreg s5  }
0x28: {  	[dreg:$0x4] =	wrdreg $0xC0  }
0x29: {  	_ =	task [dreg:s7], $0x5FFFF  }
0x2a: {  	[dreg:$0x1] =	wrdreg $0xFFFFFFFF  }
0x2b: {  	[dreg:$0x0] =	wrdreg $0x60  }
0x2c: {  	[dreg:$0x2] =	wrdreg s25  }
0x2d: {  	[dreg:$0x3] =	wrdreg s17  }
0x2e: {  	[dreg:$0x4] =	wrdreg $0x9  }
0x2f: {  	_ =	task.clear_ibuf [dreg:s7], $0x5FFFF;
	_ =	strace $0x90000046  }
0x30: {  	s29 =	simm.s32 $0x9;
	_ =	strace $0x80000048  }
0x31: {  	_ =	swait.ge [sflag:s29], $0x1  }
0x32: {  	[sflag:s29] =	ssyncadd.s32 $0xFFFFFFFF  }
0x33: {  	_ =	strace $0x90000048  }
0x34: {  	_ =	sfence  }
0x35: {  	s30 =	sld [smem:$0x0];
	_ =	sdelay $0x2  }
0x36: {  	s31 =	sshll.u32 s1, $0xD;
	s1 =	sshrl.u32 s1, $0x2  }
0x37: {  	s3 =	sand.u32 $0x4000, s31;
	s1 =	sadd.s32 s1, s30  }
0x38: {  	s0 =	sor.u32 s3, s0;
	s1 =	sshll.u32 s1, $0x11  }
0x39: {  	s0 =	sor.u32 s1, s0  }
0x3a: {  	s0 =	sadd.s32 $0x8F2B, s0  }
0x3b: {  	[sflag:s0] =	ssyncadd.remote.s32 $0x1  }
0x3c: {  	_ =	sfence.sel $0xFFFF  }
0x3d: {  	[dreg:$0x0] =	wrdreg $0xFFFFFFFF;
	(pc) =	sbr.abs _section_cstart, $3  }
0x3e: {  	[dreg:$0x1] =	wrdreg $0xFFFFFFFF  }
0x3f: {  	_ =	task.clear_ibuf [dreg:s7], $0x2FFFF;
	_ =	strace $0x9FFFFFFF  }
0x40: {  	(tm) =	ssettm $0x7FFFFFFF  }
0x41: {  	_ =	shalt  }
tec
execute0_lowered:
.L_overlay_start_1:
0x0: {  	(tag) =	ssettag $0x1  }
0x1: {  	s1 =	rddreg [dreg:$0x0]  }
0x2: {  	s2 =	rddreg [dreg:$0x1]  }
0x3: {  	s0 =	rddreg [dreg:$0x2];
	_ =	strace $0x80000047;
	s4 =	srdreg.scid  }
0x4: {  	s6 =	simm.s32 $0x2;
	s14 =	simm.s32 $0x0;
	p0 =	por $0x0, $0x0  }
0x5: {  	s16 =	simm.s32 $0x0;
	s15 =	simm.s32 $0x0;
	s7 =	simm.s32 $0x0  }
.Ltmp0:
0x6: {  	s9 =	simm.s32 $0x0;
	s10 =	simm.s32 $0x0;
	(pc) =	sbr.rel .LBB1_1-.Ltmp0, $4  }
0x7: {  	s11 =	simm.s32 $0x0;
	s13 =	stileid.u32;
	s8 =	simm.s32 $0x0  }
0x8: {  	s3 =	sadd.s32 $0x5FE400, s1;
	s5 =	sshll.u32 s4, $0x7;
	s4 =	simm.s32 $0x1  }
0x9: {  	s1 =	stileid.u32;
	s5 =	sand.u32 $0x80, s5;
	[sflag:s4] =	ssyncpa.u1 $0x0  }
0xa: {  	[sflag:s6] =	ssyncpa.u1 $0x0;
	s6 =	simm.s32 $0xC000;
	s12 =	smov.u32 s5  }
.LBB1_5:
0xb: {  	p1 =	slt.u32 s8, $0x2  }
0xc: {  	s17 =	smov.u32 s16;
	p2 =	sgt.s32 @!p1 s16, $0x37E  }
0xd: {  	s18 =	sshra.s32 @!p1 s16, $0x1F;
	s19 =	sshra.s32 @!p1 s15, $0x1F;
	p2 =	por !p2, p1  }
0xe: {  	s16 =	sand.u32 @!p1 s18, s16;
	s17 =	simm.s32 @p2 $0x37E;
	p2 =	sgt.s32 @!p1 s15, $0xF  }
0xf: {  	s18 =	smov.u32 s15;
	p2 =	por !p2, p1;
	s16 =	ssub.s32 @!p1 s17, s16  }
0x10: {  	s15 =	sand.u32 @!p1 s19, s15;
	s18 =	simm.s32 @p2 $0xF;
	s17 =	sadd.s32 @!p1 $0xFFFFFC82, s16  }
0x11: {  	p2 =	sgt.s32 @!p1 s14, $0xB80;
	s15 =	ssub.s32 @!p1 s18, s15;
	p3 =	sgt.s32 @!p1 s17, $0x7F  }
0x12: {  	p2 =	por !p2, p1;
	s18 =	smov.u32 s14;
	s17 =	sadd.s32 @!p1 $0xFFFFFFF1, s15  }
0x13: {  	s18 =	simm.s32 @p2 $0xB80;
	p2 =	sgt.s32 @!p1 s17, $0x0;
	s17 =	sshra.s32 @!p1 s14, $0x1F  }
0x14: {  	s16 =	ssub.s32 @!p1 $0x3FE, s16;
	p3 =	por !p3, p1;
	s14 =	sand.u32 @!p1 s17, s14  }
0x15: {  	s15 =	ssub.s32 @!p1 $0x10, s15;
	p2 =	por !p2, p1;
	s14 =	ssub.s32 @!p1 s18, s14  }
0x16: {  	s16 =	simm.s32 @!p3 $0x0;
	s15 =	simm.s32 @!p2 $0x0;
	s17 =	sadd.s32 @!p1 $0xFFFFF480, s14  }
0x17: {  	s18 =	smov.u32 s12;
	s15 =	smul.u32 @!p1 s15, s16;
	p2 =	sgt.s32 @!p1 s17, $0x7F  }
0x18: {  	s14 =	ssub.s32 @!p1 $0xC00, s14;
	s17 =	sadd.s32 $0x80, s11;
	p2 =	por !p2, p1  }
0x19: {  	s16 =	sadd.s32 $0x100, s12;
	s14 =	simm.s32 @!p2 $0x0;
	p2 =	sgt.s32 s17, $0xBFF  }
0x1a: {  	s19 =	smov.u32 s13;
	s18 =	smov.u32 @p2 s16  }
0x1b: {  	s14 =	smul.u32 @!p1 s14, s15;
	s15 =	sadd.s32 $0x10, s13;
	p3 =	sgt.s32 s18, $0x3FD  }
0x1c: {  	s8 =	sadd.s32 $0x1, s8;
	p0 =	por !p0, !p0;
	s19 =	smov.u32 @p3 s15  }
0x1d: {  	s20 =	simm.s32 @!p1 $0x2;
	s17 =	simm.s32 @p2 $0x0;
	p2 =	sgt.s32 s19, $0xF  }
0x1e: {  	s16 =	smov.u32 s9;
	s19 =	smov.u32 @p2 s1;
	p2 =	sne.s32 s8, $0x62  }
.Ltmp1:
0x1f: {  	s9 =	smov.u32 s12;
	s14 =	sand.u32 @!p1 $0x3FFFFFFF, s14;
	(pc) =	sbr.rel @!p2 .LBB1_6-.Ltmp1, $4  }
0x20: {  	s18 =	smov.u32 @p3 s5;
	s15 =	smov.u32 s10;
	s10 =	smov.u32 s13  }
0x21: {  	_ =	swait.ge @!p1 [sflag:s20], s14;
	s21 =	ssub.s32 @!p1 $0x0, s14;
	s14 =	smov.u32 s7  }
0x22: {  	s7 =	smov.u32 s11;
	s11 =	smov.u32 s17;
	[sflag:s20] =	ssyncset.done @!p1 $0x0  }
0x23: {  	s12 =	smov.u32 s18;
	[sflag:s20] =	ssyncadd.s32 @!p1 s21;
	s13 =	smov.u32 s19  }
.LBB1_1:
0x24: {  	p1 =	sgt.u32 s8, $0x5F  }
0x25: {  	s17 =	sshrl.u32 @!p1 s12, $0x3  }
0x26: {  	s18 =	sshll.u32 @!p1 s11, $0x3;
	s19 =	sshll.u32 @!p1 s12, $0x7;
	s17 =	smul.u32 @!p1 $0x6000, s17  }
0x27: {  	s20 =	sand.u32 @!p1 $0x7F, s11;
	s18 =	sand.u32 @!p1 $0xFFFFFC00, s18;
	s19 =	sand.u32 @!p1 $0x380, s19  }
0x28: {  	s17 =	sadd.s32 @!p1 s17, s18;
	s18 =	sor.u32 @!p1 s20, s19  }
0x29: {  	s18 =	sor.u32 @!p1 s17, s18  }
0x2a: {  	s19 =	smulhi.u32 @!p1 $0xAAAAAAAB, s18  }
0x2b: {  	s17 =	smulhi.u32 @!p1 $0xAAAAAAAB, s17  }
0x2c: {  	s19 =	sshrl.u32 @!p1 s19, $0xB  }
0x2d: {  	s17 =	sshrl.u32 @!p1 s17, $0xB;
	s19 =	smul.u32 @!p1 $0xC00, s19  }
0x2e: {  	s21 =	smul.u32 @!p1 $0x60000, s13;
	s20 =	sxor.u32 @!p1 $0xFFFFFFFF, s8;
	s17 =	sand.u32 @!p1 $0x3FF, s17  }
0x2f: {  	s20 =	sshll.u32 @!p1 s20, $0xE;
	s17 =	smul.u32 @!p1 $0x180, s17;
	s18 =	ssub.s32 @!p1 s18, s19  }
0x30: {  	s19 =	sand.u32 @!p1 $0x4000, s20;
	s20 =	sadd.s32 @!p1 s3, s21;
	s21 =	sand.u32 @!p1 $0x7, s18  }
0x31: {  	s18 =	sshrl.u32 @!p1 s18, $0x3;
	s17 =	sadd.s32 @!p1 s17, s20;
	s20 =	sshll.u32 @!p1 s21, $0x12  }
0x32: {  	s17 =	sadd.s32 @!p1 s18, s17;
	s18 =	sor.u32 @!p1 $0x400, s20;
	s20 =	simm.s32 @!p1 $0x6000  }
0x33: {  	[tilespmem:s19], [sflag:$0x1] =	stream.strided.gather @!p1 [hbm4b:s17+s18], $0x4000, s20, s18, $0x38;
	[tilespmem:$0x10000] =	vst v63  }
0x34: {  	p1 =	seq.s32 s8, $0x0  }
0x35: {  	p2 =	seq.s32 @!p1 s8, $0x61  }
0x36: {  	p1 =	por p1, p2  }
.Ltmp2:
0x37: {  	_ = 	snop;
	(pc) =	sbr.rel @p1 .LBB1_5-.Ltmp2, $1  }
0x38: {  	_ =	sdelay $0x3  }
0x39: {  	s17 =	simm.s32 $0x1  }
0x3a: {  	s17 =	simm.s32 @!p0 $0x0  }
0x3b: {  	s17 =	sshll.u32 s17, $0xE  }
0x3c: {  	s18 =	sor.u32 $0x40, s17  }
0x3d: {  	v1 =	vmov s18;
	_ =	sdelay $0x1  }
0x3e: {  	_ =	swait.ge [sflag:s4], $0x4000  }
0x3f: {  	[sflag:s4] =	ssyncset.done $0x0  }
0x40: {  	s19 =	simm.s32 $0x0;
	[sflag:s4] =	ssyncadd.s32 $0xFFFFC000  }
0x41: {  	s17 =	sor.u32 $0x8070, s17;
	v4 =	vld.idx.msk [tilespmem:v1+s19+$0x30 ss:$0x1], $0xffff  }
0x42: {  	v0 =	vmov s17;
	v8 =	vld.idx.msk [tilespmem:v1+s19+$0xFFFFFFC0 ss:$0x1], $0xffff  }
0x43: {  	v7 =	vld.idx.msk [tilespmem:v1+s19+$0xFFFFFFD0 ss:$0x1], $0xffff  }
0x44: {  	v6 =	vld.idx.msk [tilespmem:v1+s19+$0xFFFFFFE0 ss:$0x1], $0xffff  }
0x45: {  	v5 =	vld.idx.msk [tilespmem:v1+s19+$0xFFFFFFF0 ss:$0x1], $0xffff  }
0x46: {  	s31 =	sshll.u32 s8, $0xE;
	v3 =	vld.idx.msk [tilespmem:v1+s19+$0x0 ss:$0x1], $0xffff  }
0x47: {  	s17 =	sand.u32 $0x4000, s31;
	v2 =	vld.idx.msk [tilespmem:v1+s19+$0x10 ss:$0x1], $0xffff;
	[tilespmem:v0+s19+$0x0 ss:$0x1] =	vst.idx.msk $0xffff, v4  }
0x48: {  	s20 =	simm.s32 $0x400;
	s18 =	simm.s32 $0x80;
	s17 =	sor.u32 $0x8000, s17;
	[tilespmem:v0+s19+$0xFFFFFF90 ss:$0x1] =	vst.idx.msk $0xffff, v8;
	v4 =	vld.idx.msk [tilespmem:v1+s19+$0x20 ss:$0x1], $0xffff  }
.LBB1_3:
0x49: {  	p1 =	sne.s32 s20, $0xFE00;
	v8 =	vld.idx.msk [tilespmem:v1+s18+$0x30 ss:$0x1], $0xffff;
	[tilespmem:v0+s19+$0xFFFFFFA0 ss:$0x1] =	vst.idx.msk $0xffff, v7  }
0x4a: {  	v9 =	vld.idx.msk [tilespmem:v1+s18+$0xFFFFFFC0 ss:$0x1], $0xffff;
	[tilespmem:v0+s19+$0xFFFFFFB0 ss:$0x1] =	vst.idx.msk $0xffff, v6  }
0x4b: {  	v7 =	vld.idx.msk [tilespmem:v1+s18+$0xFFFFFFD0 ss:$0x1], $0xffff;
	[tilespmem:v0+s19+$0xFFFFFFC0 ss:$0x1] =	vst.idx.msk $0xffff, v5  }
.Ltmp3:
0x4c: {  	v6 =	vld.idx.msk [tilespmem:v1+s18+$0xFFFFFFE0 ss:$0x1], $0xffff;
	[tilespmem:v0+s19+$0xFFFFFFD0 ss:$0x1] =	vst.idx.msk $0xffff, v3;
	(pc) =	sbr.rel @p1 .LBB1_3-.Ltmp3, $4  }
0x4d: {  	v5 =	vld.idx.msk [tilespmem:v1+s18+$0xFFFFFFF0 ss:$0x1], $0xffff;
	[tilespmem:v0+s19+$0xFFFFFFE0 ss:$0x1] =	vst.idx.msk $0xffff, v2  }
0x4e: {  	v3 =	vld.idx.msk [tilespmem:v1+s18+$0x0 ss:$0x1], $0xffff;
	[tilespmem:v0+s19+$0xFFFFFFF0 ss:$0x1] =	vst.idx.msk $0xffff, v4;
	s19 =	smov.u32 s18  }
0x4f: {  	v2 =	vld.idx.msk [tilespmem:v1+s19+$0x10 ss:$0x1], $0xffff;
	[tilespmem:v0+s19+$0x0 ss:$0x1] =	vst.idx.msk $0xffff, v8  }
0x50: {  	s18 =	sshra.s32 s20, $0x2;
	s20 =	sadd.s32 $0x200, s20;
	[tilespmem:v0+s19+$0xFFFFFF90 ss:$0x1] =	vst.idx.msk $0xffff, v9;
	v4 =	vld.idx.msk [tilespmem:v1+s19+$0x20 ss:$0x1], $0xffff  }
0x51: {  	s20 =	sshrl.u32 s10, $0x3;
	s21 =	sshll.u32 s7, $0x3;
	s22 =	sshll.u32 s10, $0x7  }
0x52: {  	s23 =	sand.u32 $0x7F, s7;
	p1 =	sgt.s32 s9, $0x37E;
	s26 =	sshra.s32 s9, $0x1F  }
0x53: {  	s24 =	sshra.s32 s10, $0x1F;
	p2 =	sgt.s32 s7, $0xB80;
	s20 =	smul.u32 $0x6000, s20  }
0x54: {  	s21 =	sand.u32 $0xFFFFFC00, s21;
	s25 =	sand.u32 $0x380, s22;
	s22 =	smov.u32 s9  }
0x55: {  	s24 =	sand.u32 s24, s10;
	s22 =	simm.s32 @!p1 $0x37E;
	p1 =	sgt.s32 s10, $0xF  }
0x56: {  	s20 =	sadd.s32 s20, s21;
	s21 =	sor.u32 s25, s23;
	s23 =	sand.u32 s26, s9  }
0x57: {  	[tilespmem:v0+s19+$0xFFFFFFA0 ss:$0x1] =	vst.idx.msk $0xffff, v7;
	s26 =	sshra.s32 s7, $0x1F;
	s21 =	sor.u32 s20, s21;
	s22 =	ssub.s32 s22, s23  }
0x58: {  	v56 =	vld.idx.msk [tilespmem:v1+s18+$0x30 ss:$0x1], $0xffff;
	[tilespmem:v0+s19+$0xFFFFFFB0 ss:$0x1] =	vst.idx.msk $0xffff, v6;
	s23 =	smov.u32 s10;
	s26 =	sand.u32 s26, s7;
	s20 =	smulhi.u32 $0xAAAAAAAB, s20  }
0x59: {  	v57 =	vld.idx.msk [tilespmem:v1+s18+$0xFFFFFFC0 ss:$0x1], $0xffff;
	[tilespmem:v0+s19+$0xFFFFFFC0 ss:$0x1] =	vst.idx.msk $0xffff, v5;
	s25 =	sadd.s32 $0xFFFFFC82, s22;
	s23 =	simm.s32 @!p1 $0xF;
	s28 =	smulhi.u32 $0xAAAAAAAB, s21  }
0x5a: {  	v58 =	vld.idx.msk [tilespmem:v1+s18+$0xFFFFFFD0 ss:$0x1], $0xffff;
	[tilespmem:v0+s19+$0xFFFFFFD0 ss:$0x1] =	vst.idx.msk $0xffff, v3;
	s22 =	ssub.s32 $0x3FE, s22;
	p1 =	sgt.s32 s25, $0x7F;
	s23 =	ssub.s32 s23, s24  }
0x5b: {  	v59 =	vld.idx.msk [tilespmem:v1+s18+$0xFFFFFFE0 ss:$0x1], $0xffff;
	[tilespmem:v0+s19+$0xFFFFFFE0 ss:$0x1] =	vst.idx.msk $0xffff, v2;
	s24 =	smov.u32 s7;
	s20 =	sshrl.u32 s20, $0xB;
	s25 =	smul.u32 $0x1800, s9  }
0x5c: {  	v60 =	vld.idx.msk [tilespmem:v1+s18+$0xFFFFFFF0 ss:$0x1], $0xffff;
	[tilespmem:v0+s19+$0xFFFFFFF0 ss:$0x1] =	vst.idx.msk $0xffff, v4;
	s27 =	sadd.s32 $0xFFFFFFF1, s23;
	s24 =	simm.s32 @!p2 $0xB80;
	s22 =	simm.s32 @p1 $0x0  }
0x5d: {  	v61 =	vld.idx.msk [tilespmem:v1+s18+$0x0 ss:$0x1], $0xffff;
	[tilespmem:v0+s18+$0x0 ss:$0x1] =	vst.idx.msk $0xffff, v56;
	s30 =	sshrl.u32 s28, $0xB;
	s23 =	ssub.s32 $0x10, s23;
	s20 =	sand.u32 $0xF, s20  }
0x5e: {  	v62 =	vld.idx.msk [tilespmem:v1+s18+$0x10 ss:$0x1], $0xffff;
	[tilespmem:v0+s18+$0xFFFFFF90 ss:$0x1] =	vst.idx.msk $0xffff, v57;
	p2 =	sgt.s32 s27, $0x0;
	s29 =	ssub.s32 s24, s26;
	s24 =	smul.u32 $0xC00, s30  }
0x5f: {  	v63 =	vld.idx.msk [tilespmem:v1+s18+$0x20 ss:$0x1], $0xffff;
	[tilespmem:v0+s18+$0xFFFFFFA0 ss:$0x1] =	vst.idx.msk $0xffff, v58;
	s20 =	smul.u32 $0x180, s20;
	s23 =	simm.s32 @p2 $0x0;
	s31 =	sadd.s32 $0xFFFFF480, s29  }
0x60: {  	[tilespmem:v0+s18+$0xFFFFFFB0 ss:$0x1] =	vst.idx.msk $0xffff, v59;
	s19 =	ssub.s32 $0xC00, s29;
	s22 =	smul.u32 s23, s22;
	p1 =	sgt.s32 s31, $0x7F  }
.Ltmp4:
0x61: {  	[tilespmem:v0+s18+$0xFFFFFFC0 ss:$0x1] =	vst.idx.msk $0xffff, v60;
	s21 =	ssub.s32 s21, s24;
	s19 =	simm.s32 @p1 $0x0;
	(pc) =	sbr.rel .LBB1_5-.Ltmp4, $4  }
0x62: {  	[tilespmem:v0+s18+$0xFFFFFFD0 ss:$0x1] =	vst.idx.msk $0xffff, v61;
	s26 =	sadd.s32 s2, s25;
	s27 =	sand.u32 $0x7, s21;
	s19 =	smul.u32 s19, s22  }
0x63: {  	[tilespmem:v0+s18+$0xFFFFFFE0 ss:$0x1] =	vst.idx.msk $0xffff, v62;
	s20 =	sadd.s32 s20, s26;
	s21 =	sshrl.u32 s21, $0x3;
	s28 =	sshll.u32 s27, $0x12  }
0x64: {  	[tilespmem:v0+s18+$0xFFFFFFF0 ss:$0x1] =	vst.idx.msk $0xffff, v63;
	s30 =	sadd.s32 s21, s20;
	s31 =	sor.u32 $0x80, s28;
	s29 =	sand.u32 $0x3FFFFFFF, s19  }
0x65: {  	[hbm4b:s30+s31] =	stream.strided.scatter [tilespmem:s17], [sflag:$0x2], s29, s6, s31, $0x38;
	[tilespmem:$0x10000] =	vst v63  }
.LBB1_6:
0x66: {  	_ =	sfence.sel $0x180000  }
0x67: {  	s2 =	simm.s32 $0x1;
	[bflag:$0x0] =	sbarrier.arrive $0xFFFF  }
0x68: {  	s31 =	simm.s32 $0x2;
	[sflag:s2] =	ssyncpa.u1 $0x1  }
0x69: {  	[sflag:s31] =	ssyncpa.u1 $0x1  }
0x6a: {  	p0 =	sne.s32 s1, $0x0;
	_ =	strace $0x90000047  }
0x6b: {  	s0 =	sadd.s32 @!p0 $0x100000, s0;
	[bflag:$0x2] =	sbarrier.arrive $0xFFFF  }
0x6c: {  	[sflag:s0] =	ssyncadd.tile.s32 @!p0 $0x1;
	_ =	shalt  }
.Lfunc_end1:
_tile_overlayer_lowered:
.L_overlay_start_2:
0x6d: {  	(tag) =	ssettag $0x2  }
0x6e: {  	s0 =	rddreg [dreg:$0x0];
	s2 =	stileid.u32  }
0x6f: {  	s1 =	rddreg [dreg:$0x1];
	p0 =	sne.s32 s2, $0x0  }
0x70: {  	s3 =	rddreg [dreg:$0x2];
	[bflag:$0x3] =	sbarrier.arrive $0xFFFF;
	s2 =	simm.s32 @!p0 $0x1C01  }
0x71: {  	[timem:s3], [sflag:s2] =	dma.local @!p0 [hbm:s0], s1  }
0x72: {  	s0 =	simm.s32 @!p0 $0x1  }
0x73: {  	_ =	swait.ge @!p0 [sflag:s0], s1  }
0x74: {  	s1 =	ssub.s32 @!p0 $0x0, s1;
	[sflag:s0] =	ssyncset.done @!p0 $0x0  }
0x75: {  	[sflag:s0] =	ssyncadd.s32 @!p0 s1  }
0x76: {  	[bflag:$0x3] =	sbarrier.arrive $0xFFFF  }
0x77: {  	_ =	shalt  }

</sc_bundles>
